<compile_context>
chip_gen: v7x
topology: tpu7x:2x2x1
jax: 0.10.2.dev20260603
libtpu: 0.0.44.dev20260713+nightly
codegen_flags: <defaults>
</compile_context>

<pallas_src>
import functools

import jax
import jax.numpy as jnp
from jax import lax
from jax.experimental import pallas as pl
from jax.experimental.pallas import tpu as pltpu
from jax.experimental.pallas import tpu_sc as plsc

_TILE_A = 4096
_TILE_B = 2048
_NEG_BIG = -3e38


@functools.lru_cache(maxsize=None)
def _make_sc_gather(R, B):
    info = plsc.get_sparse_core_info()
    NC, NS = info.num_cores, info.num_subcores
    NW = NC * NS
    b_per_w = B // NW
    mesh = plsc.VectorSubcoreMesh(core_axis_name="c", subcore_axis_name="s")

    @functools.partial(
        pl.kernel,
        mesh=mesh,
        out_type=jax.ShapeDtypeStruct((B, 128), jnp.float32),
        scratch_types=[
            pltpu.VMEM((b_per_w,), jnp.int32),
            pltpu.VMEM((b_per_w, 128), jnp.float32),
            pltpu.SemaphoreType.DMA,
        ],
    )
    def gather_k(table_hbm, rid_hbm, out_hbm, rid_v, rows_v, sem):
        wid = lax.axis_index("s") * NC + lax.axis_index("c")
        base = wid * b_per_w
        pltpu.sync_copy(rid_hbm.at[pl.ds(base, b_per_w)], rid_v)
        pltpu.async_copy(table_hbm.at[rid_v], rows_v, sem).wait()
        pltpu.sync_copy(rows_v, out_hbm.at[pl.ds(base, b_per_w)])

    return gather_k


def _select_emb(D, rows_ref, oh_ref):
    per_row = 128 // D
    acc = rows_ref[:, 0:D] * oh_ref[:, 0:1]
    for k in range(1, per_row):
        acc += rows_ref[:, k * D:(k + 1) * D] * oh_ref[:, k:k + 1]
    return acc


def _logits_t(wb_ref, embte_ref):
    return lax.dot_general(
        wb_ref[...], embte_ref[...],
        (((0,), (0,)), ((), ())),
        preferred_element_type=jnp.float32)


def _pass_a_body(D, rows_ref, oh_ref, wb_ref, s_ref, embte_ref):
    j = pl.program_id(0)
    nv = pl.num_programs(0)
    B = rows_ref.shape[0]

    @pl.when(j == 0)
    def _():
        emb = _select_emb(D, rows_ref, oh_ref)
        embte_ref[0:D, :] = emb.T.astype(jnp.bfloat16)
        embte_ref[D:D + 1, :] = jnp.ones((1, B), jnp.bfloat16)

    texp = jnp.sum(jnp.exp(_logits_t(wb_ref, embte_ref)),
                   axis=0, keepdims=True)

    @pl.when(j == 0)
    def _():
        s_ref[...] = texp

    @pl.when(j > 0)
    def _():
        s_ref[...] += texp

    @pl.when(j == nv - 1)
    def _():
        s_ref[...] = 1.0 / s_ref[...]


def _pass_b_body(embte_ref, wb_ref, si_ref, out_ref):
    out_ref[...] = jnp.exp(_logits_t(wb_ref, embte_ref)) * si_ref[...]


def kernel(tokens, emb_table, W, b):
    V, D = emb_table.shape
    B = tokens.shape[0]
    idx = tokens.astype(jnp.int32)

    per_row = 128 // D
    table2 = emb_table.reshape(V * D // 128, 128)
    rid = idx // per_row
    oh = (jnp.arange(per_row, dtype=jnp.int32)[None, :]
          == (idx % per_row)[:, None]).astype(jnp.float32)

    rows = _make_sc_gather(table2.shape[0], B)(table2, rid)

    nv_a = pl.cdiv(V, _TILE_A)
    nv_b = pl.cdiv(V, _TILE_B)
    pad = nv_a * _TILE_A - V
    w_p = jnp.pad(W, ((0, 0), (0, pad)))
    b_p = jnp.pad(b.reshape(1, V), ((0, 0), (0, pad)),
                  constant_values=_NEG_BIG)
    wb = jnp.concatenate([w_p, b_p], axis=0).astype(jnp.bfloat16)

    rows_spec = pl.BlockSpec((B, 128), lambda j: (0, 0))
    oh_spec = pl.BlockSpec((B, per_row), lambda j: (0, 0))
    wb_a_spec = pl.BlockSpec((D + 1, _TILE_A), lambda j: (0, j))
    wb_b_spec = pl.BlockSpec((D + 1, _TILE_B), lambda j: (0, j))
    row_spec = pl.BlockSpec((1, B), lambda j: (0, 0))
    embte_spec = pl.BlockSpec((D + 1, B), lambda j: (0, 0))

    s_inv, embte = pl.pallas_call(
        functools.partial(_pass_a_body, D),
        grid=(nv_a,),
        in_specs=[rows_spec, oh_spec, wb_a_spec],
        out_specs=[row_spec, embte_spec],
        out_shape=[jax.ShapeDtypeStruct((1, B), jnp.float32),
                   jax.ShapeDtypeStruct((D + 1, B), jnp.bfloat16)],
        compiler_params=pltpu.CompilerParams(
            dimension_semantics=("arbitrary",)),
    )(rows, oh, wb)

    out_t = pl.pallas_call(
        _pass_b_body,
        grid=(nv_b,),
        in_specs=[embte_spec, wb_b_spec, row_spec],
        out_specs=pl.BlockSpec((_TILE_B, B), lambda j: (j, 0)),
        out_shape=jax.ShapeDtypeStruct((V, B), jnp.float32),
        compiler_params=pltpu.CompilerParams(
            dimension_semantics=("parallel",)),
    )(embte, wb, s_inv)

    return out_t.T

# --- scband reference (transcript-rebuilt; emitter-appended) ---
"""Pipeline reference for scband-berp-11003706213049 (READ-ONLY COPY).

The authoritative reference and input builder live on the scoring server;
editing this copy changes nothing except your own understanding.
"""

import jax, jax.numpy as jnp
import numpy as np

VOCAB = 100000
DIM = 32
BATCH = 1024

def setup_inputs(seed: int = 0) -> dict:
    key = jax.random.key(seed)
    k_tok, k_emb, k_w, k_b = jax.random.split(key, 4)
    tokens = jax.random.randint(k_tok, (BATCH,), 0, VOCAB, dtype=jnp.int64)
    emb_table = jax.random.normal(k_emb, (VOCAB, DIM), dtype=jnp.float32) * 0.02
    W = jax.random.normal(k_w, (DIM, VOCAB), dtype=jnp.float32) * 0.02
    b = jax.random.normal(k_b, (VOCAB,), dtype=jnp.float32) * 0.02
    return {"tokens": tokens, "emb_table": emb_table, "W": W, "b": b}

def reference(tokens, emb_table, W, b):
    # nn.Embedding lookup -> gather
    embeddings = jnp.take(emb_table, tokens, axis=0)
    # magic_layer is identity
    transformed = embeddings
    # nn.Linear projection
    projected = transformed @ W + b
    predictions = jax.nn.softmax(projected, axis=-1)
    return predictions

if __name__ == "__main__":
    import jax
    _d = setup_inputs()
    print(jax.jit(kernel)(*tuple(_d.values())))

</pallas_src>

<mosaic_0001>
#map = affine_map<(d0, d1) -> (0, 0)>
#map1 = affine_map<(d0, d1) -> (0)>
module attributes {stable_mosaic.version = 14 : i64} {
  func.func @gather_k(%arg0: i32, %arg1: i32, %arg2: memref<25000x128xf32, #tpu.memory_space<hbm>>, %arg3: memref<1024xi32, #tpu.memory_space<hbm>>, %arg4: memref<1024x128xf32, #tpu.memory_space<hbm>>, %arg5: memref<32xi32, #tpu.memory_space<vmem>>, %arg6: memref<32x128xf32, #tpu.memory_space<vmem>>, %arg7: memref<!tpu.dma_semaphore, #tpu.memory_space<semaphore_mem>>) attributes {dimension_semantics = [#tpu.dimension_semantics<core_parallel>, #tpu.dimension_semantics<subcore_parallel>], iteration_bounds = array<i64: 2, 16>, scalar_prefetch = 0 : i64, scratch_operands = 3 : i64, tpu.core_type = #tpu.core_type<sc_vector_subcore>, window_params = [{transform_indices = #map}, {transform_indices = #map1}, {transform_indices = #map}]} {
    %mul3A = arith.constant 2 : i32
    %mul3A_0 = arith.muli %arg1, %mul3A : i32
    %add3A = arith.addi %mul3A_0, %arg0 : i32
    %mul3A_1 = arith.constant 32 : i32
    %mul3A_2 = arith.muli %add3A, %mul3A_1 : i32
    "tpu.region"() ({
      %run_scoped3A = tpu.sem_alloc : memref<!tpu.dma_semaphore, #tpu.memory_space<semaphore_mem>>
      %dma_start3A_7 = tpu.memref_slice %arg3[%mul3A_2] : memref<1024xi32, #tpu.memory_space<hbm>> -> memref<32xi32, #tpu.memory_space<hbm>>
      %dma_start3A_8 = tpu.memref_slice %arg3[%mul3A_2] : memref<1024xi32, #tpu.memory_space<hbm>> -> memref<32xi32, #tpu.memory_space<hbm>>
      tpu.enqueue_dma source(%dma_start3A_8 : memref<32xi32, #tpu.memory_space<hbm>>) target(%arg5 : memref<32xi32, #tpu.memory_space<vmem>>) target_semaphore(%run_scoped3A : memref<!tpu.dma_semaphore, #tpu.memory_space<semaphore_mem>>)
      %dma_wait3A_9 = tpu.memref_slice %arg3[%mul3A_2] : memref<1024xi32, #tpu.memory_space<hbm>> -> memref<32xi32, #tpu.memory_space<hbm>>
      %dma_wait3A_10 = tpu.memref_slice %arg3[%mul3A_2] : memref<1024xi32, #tpu.memory_space<hbm>> -> memref<32xi32, #tpu.memory_space<hbm>>
      tpu.wait_dma2 semaphore(%run_scoped3A : memref<!tpu.dma_semaphore, #tpu.memory_space<semaphore_mem>>) src(%dma_wait3A_10 : memref<32xi32, #tpu.memory_space<hbm>>) dst(%arg5 : memref<32xi32, #tpu.memory_space<vmem>>)
      tpu.yield
    }) : () -> ()
    %dma_start3A = arith.constant 0 : i32
    %dma_start3A_3 = arith.constant 0 : i32
    %dma_start3A_4 = tpu.memref_slice %arg2[%dma_start3A, %dma_start3A_3] : memref<25000x128xf32, #tpu.memory_space<hbm>> -> memref<25000x128xf32, #tpu.memory_space<hbm>>
    tpu.enqueue_indirect_dma source(%dma_start3A_4 : memref<25000x128xf32, #tpu.memory_space<hbm>>) target(%arg6 : memref<32x128xf32, #tpu.memory_space<vmem>>) offsets(%arg5 : memref<32xi32, #tpu.memory_space<vmem>>) semaphore(%arg7 : memref<!tpu.dma_semaphore, #tpu.memory_space<semaphore_mem>>)
    %dma_wait3A = arith.constant 0 : i32
    %dma_wait3A_5 = arith.constant 0 : i32
    %dma_wait3A_6 = tpu.memref_slice %arg2[%dma_wait3A, %dma_wait3A_5] : memref<25000x128xf32, #tpu.memory_space<hbm>> -> memref<25000x128xf32, #tpu.memory_space<hbm>>
    tpu.wait_indirect_dma semaphore(%arg7 : memref<!tpu.dma_semaphore, #tpu.memory_space<semaphore_mem>>) src(%dma_wait3A_6 : memref<25000x128xf32, #tpu.memory_space<hbm>>) dst(%arg6 : memref<32x128xf32, #tpu.memory_space<vmem>>)
    "tpu.region"() ({
      %run_scoped3A = tpu.sem_alloc : memref<!tpu.dma_semaphore, #tpu.memory_space<semaphore_mem>>
      %dma_start3A_7 = arith.constant 0 : i32
      %dma_start3A_8 = tpu.memref_slice %arg4[%mul3A_2, %dma_start3A_7] : memref<1024x128xf32, #tpu.memory_space<hbm>> -> memref<32x128xf32, #tpu.memory_space<hbm>>
      %dma_start3A_9 = arith.constant 0 : i32
      %dma_start3A_10 = tpu.memref_slice %arg4[%mul3A_2, %dma_start3A_9] : memref<1024x128xf32, #tpu.memory_space<hbm>> -> memref<32x128xf32, #tpu.memory_space<hbm>>
      tpu.enqueue_dma source(%arg6 : memref<32x128xf32, #tpu.memory_space<vmem>>) target(%dma_start3A_10 : memref<32x128xf32, #tpu.memory_space<hbm>>) target_semaphore(%run_scoped3A : memref<!tpu.dma_semaphore, #tpu.memory_space<semaphore_mem>>)
      %dma_wait3A_11 = arith.constant 0 : i32
      %dma_wait3A_12 = tpu.memref_slice %arg4[%mul3A_2, %dma_wait3A_11] : memref<1024x128xf32, #tpu.memory_space<hbm>> -> memref<32x128xf32, #tpu.memory_space<hbm>>
      %dma_wait3A_13 = arith.constant 0 : i32
      %dma_wait3A_14 = tpu.memref_slice %arg4[%mul3A_2, %dma_wait3A_13] : memref<1024x128xf32, #tpu.memory_space<hbm>> -> memref<32x128xf32, #tpu.memory_space<hbm>>
      tpu.wait_dma2 semaphore(%run_scoped3A : memref<!tpu.dma_semaphore, #tpu.memory_space<semaphore_mem>>) src(%arg6 : memref<32x128xf32, #tpu.memory_space<vmem>>) dst(%dma_wait3A_14 : memref<32x128xf32, #tpu.memory_space<hbm>>)
      tpu.yield
    }) : () -> ()
    return
  }
}

module attributes {stable_mosaic.version = 14 : i64} {
  func.func @_pass_a_body(%arg0: i32, %arg1: memref<1024x128xf32, #tpu.memory_space<vmem>>, %arg2: memref<1024x4xf32, #tpu.memory_space<vmem>>, %arg3: memref<33x4096xbf16, #tpu.memory_space<vmem>>, %arg4: memref<1x1024xf32, #tpu.memory_space<vmem>>, %arg5: memref<33x1024xbf16, #tpu.memory_space<vmem>>) attributes {dimension_semantics = [#tpu.dimension_semantics<arbitrary>], iteration_bounds = array<i64: 25>, scalar_prefetch = 0 : i64, scratch_operands = 0 : i64, tpu.core_type = #tpu.core_type<tc>, window_params = [{pipeline_mode = #tpu.pipeline_mode<synchronous>, transform_indices = @transform_0, window_bounds = array<i64: 1024, 128>}, {pipeline_mode = #tpu.pipeline_mode<synchronous>, transform_indices = @transform_1, window_bounds = array<i64: 1024, 4>}, {transform_indices = @transform_2, window_bounds = array<i64: 33, 4096>}, {pipeline_mode = #tpu.pipeline_mode<synchronous>, transform_indices = @transform_3, window_bounds = array<i64: 1, 1024>}, {pipeline_mode = #tpu.pipeline_mode<synchronous>, transform_indices = @transform_4, window_bounds = array<i64: 33, 1024>}]} {
    %eq3A = arith.constant 0 : i32
    %eq3A_0 = arith.cmpi eq, %arg0, %eq3A : i32
    %convert_element_type3A = arith.extui %eq3A_0 : i1 to i32
    %cond3A = arith.constant 0 : i32
    %cond3A_1 = arith.cmpi ne, %convert_element_type3A, %cond3A : i32
    scf.if %cond3A_1 {
      %get3A_23 = arith.constant 0 : index
      %get3A_24 = arith.constant 0 : index
      %get3A_25 = vector.load %arg1[%get3A_23, %get3A_24] : memref<1024x128xf32, #tpu.memory_space<vmem>>, vector<1024x32xf32>
      %get3A_26 = arith.constant 0 : index
      %get3A_27 = arith.constant 0 : index
      %get3A_28 = vector.load %arg2[%get3A_26, %get3A_27] : memref<1024x4xf32, #tpu.memory_space<vmem>>, vector<1024x1xf32>
      %mul3A = vector.broadcast %get3A_28 : vector<1024x1xf32> to vector<1024x32xf32>
      %mul3A_29 = arith.mulf %get3A_25, %mul3A : vector<1024x32xf32>
      %get3A_30 = arith.constant 0 : index
      %get3A_31 = arith.constant 32 : index
      %get3A_32 = vector.load %arg1[%get3A_30, %get3A_31] : memref<1024x128xf32, #tpu.memory_space<vmem>>, vector<1024x32xf32>
      %get3A_33 = arith.constant 0 : index
      %get3A_34 = arith.constant 1 : index
      %get3A_35 = vector.load %arg2[%get3A_33, %get3A_34] : memref<1024x4xf32, #tpu.memory_space<vmem>>, vector<1024x1xf32>
      %mul3A_36 = vector.broadcast %get3A_35 : vector<1024x1xf32> to vector<1024x32xf32>
      %mul3A_37 = arith.mulf %get3A_32, %mul3A_36 : vector<1024x32xf32>
      %add3A = arith.addf %mul3A_29, %mul3A_37 : vector<1024x32xf32>
      %get3A_38 = arith.constant 0 : index
      %get3A_39 = arith.constant 64 : index
      %get3A_40 = vector.load %arg1[%get3A_38, %get3A_39] : memref<1024x128xf32, #tpu.memory_space<vmem>>, vector<1024x32xf32>
      %get3A_41 = arith.constant 0 : index
      %get3A_42 = arith.constant 2 : index
      %get3A_43 = vector.load %arg2[%get3A_41, %get3A_42] : memref<1024x4xf32, #tpu.memory_space<vmem>>, vector<1024x1xf32>
      %mul3A_44 = vector.broadcast %get3A_43 : vector<1024x1xf32> to vector<1024x32xf32>
      %mul3A_45 = arith.mulf %get3A_40, %mul3A_44 : vector<1024x32xf32>
      %add3A_46 = arith.addf %add3A, %mul3A_45 : vector<1024x32xf32>
      %get3A_47 = arith.constant 0 : index
      %get3A_48 = arith.constant 96 : index
      %get3A_49 = vector.load %arg1[%get3A_47, %get3A_48] : memref<1024x128xf32, #tpu.memory_space<vmem>>, vector<1024x32xf32>
      %get3A_50 = arith.constant 0 : index
      %get3A_51 = arith.constant 3 : index
      %get3A_52 = vector.load %arg2[%get3A_50, %get3A_51] : memref<1024x4xf32, #tpu.memory_space<vmem>>, vector<1024x1xf32>
      %mul3A_53 = vector.broadcast %get3A_52 : vector<1024x1xf32> to vector<1024x32xf32>
      %mul3A_54 = arith.mulf %get3A_49, %mul3A_53 : vector<1024x32xf32>
      %add3A_55 = arith.addf %add3A_46, %mul3A_54 : vector<1024x32xf32>
      %transpose3A = tpu.transpose %add3A_55, [1, 0] : vector<1024x32xf32> -> vector<32x1024xf32>
      %convert_element_type3A_56 = arith.truncf %transpose3A : vector<32x1024xf32> to vector<32x1024xbf16>
      %swap3A = arith.constant 0 : index
      %swap3A_57 = arith.constant 0 : index
      %swap3A_58 = vector.load %arg5[%swap3A, %swap3A_57] : memref<33x1024xbf16, #tpu.memory_space<vmem>>, vector<32x1024xbf16>
      tpu.vector_store %arg5[%swap3A, %swap3A_57], %convert_element_type3A_56 {strides = array<i32>} : memref<33x1024xbf16, #tpu.memory_space<vmem>>, vector<32x1024xbf16>,
      %broadcast_in_dim3A_59 = arith.constant 1.000000e+00 : bf16
      %broadcast_in_dim3A_60 = vector.broadcast %broadcast_in_dim3A_59 : bf16 to vector<1x1024xbf16>
      %swap3A_61 = arith.constant 32 : index
      %swap3A_62 = arith.constant 0 : index
      %swap3A_63 = vector.load %arg5[%swap3A_61, %swap3A_62] : memref<33x1024xbf16, #tpu.memory_space<vmem>>, vector<1x1024xbf16>
      tpu.vector_store %arg5[%swap3A_61, %swap3A_62], %broadcast_in_dim3A_60 {strides = array<i32>} : memref<33x1024xbf16, #tpu.memory_space<vmem>>, vector<1x1024xbf16>,
    } else {
    }
    %get3A = arith.constant 0 : index
    %get3A_2 = arith.constant 0 : index
    %get3A_3 = vector.load %arg3[%get3A, %get3A_2] : memref<33x4096xbf16, #tpu.memory_space<vmem>>, vector<33x4096xbf16>
    %get3A_4 = arith.constant 0 : index
    %get3A_5 = arith.constant 0 : index
    %get3A_6 = vector.load %arg5[%get3A_4, %get3A_5] : memref<33x1024xbf16, #tpu.memory_space<vmem>>, vector<33x1024xbf16>
    %dot_general3A = arith.constant dense<0.000000e+00> : vector<4096x1024xf32>
    %dot_general3A_7 = tpu.matmul %get3A_3, %get3A_6, %dot_general3A {dimension_numbers = #tpu.dot_dimension_numbers<[0], [0], [1], [1], [0, 1, 1, 1], [], []>, transpose_lhs_hint = false} : vector<33x4096xbf16>, vector<33x1024xbf16>, vector<4096x1024xf32> -> vector<4096x1024xf32>
    %exp3A = math.exp %dot_general3A_7 : vector<4096x1024xf32>
    %reduce_sum3A = arith.constant dense<0.000000e+00> : vector<1024xf32>
    %reduce_sum3A_8 = vector.multi_reduction <add>, %exp3A, %reduce_sum3A [0] : vector<4096x1024xf32> to vector<1024xf32>
    %broadcast_in_dim3A = vector.shape_cast %reduce_sum3A_8 : vector<1024xf32> to vector<1x1024xf32>
    %eq3A_9 = arith.constant 0 : i32
    %eq3A_10 = arith.cmpi eq, %arg0, %eq3A_9 : i32
    %convert_element_type3A_11 = arith.extui %eq3A_10 : i1 to i32
    %cond3A_12 = arith.constant 0 : i32
    %cond3A_13 = arith.cmpi ne, %convert_element_type3A_11, %cond3A_12 : i32
    scf.if %cond3A_13 {
      %swap3A = arith.constant 0 : index
      %swap3A_23 = arith.constant 0 : index
      %swap3A_24 = vector.load %arg4[%swap3A, %swap3A_23] : memref<1x1024xf32, #tpu.memory_space<vmem>>, vector<1x1024xf32>
      tpu.vector_store %arg4[%swap3A, %swap3A_23], %broadcast_in_dim3A {strides = array<i32>} : memref<1x1024xf32, #tpu.memory_space<vmem>>, vector<1x1024xf32>,
    } else {
    }
    %gt3A = arith.constant 0 : i32
    %gt3A_14 = arith.cmpi sgt, %arg0, %gt3A : i32
    %convert_element_type3A_15 = arith.extui %gt3A_14 : i1 to i32
    %cond3A_16 = arith.constant 0 : i32
    %cond3A_17 = arith.cmpi ne, %convert_element_type3A_15, %cond3A_16 : i32
    scf.if %cond3A_17 {
      %get3A_23 = arith.constant 0 : index
      %get3A_24 = arith.constant 0 : index
      %get3A_25 = vector.load %arg4[%get3A_23, %get3A_24] : memref<1x1024xf32, #tpu.memory_space<vmem>>, vector<1x1024xf32>
      %add3A = arith.addf %get3A_25, %broadcast_in_dim3A : vector<1x1024xf32>
      %swap3A = arith.constant 0 : index
      %swap3A_26 = arith.constant 0 : index
      %swap3A_27 = vector.load %arg4[%swap3A, %swap3A_26] : memref<1x1024xf32, #tpu.memory_space<vmem>>, vector<1x1024xf32>
      tpu.vector_store %arg4[%swap3A, %swap3A_26], %add3A {strides = array<i32>} : memref<1x1024xf32, #tpu.memory_space<vmem>>, vector<1x1024xf32>,
    } else {
    }
    %eq3A_18 = arith.constant 24 : i32
    %eq3A_19 = arith.cmpi eq, %arg0, %eq3A_18 : i32
    %convert_element_type3A_20 = arith.extui %eq3A_19 : i1 to i32
    %cond3A_21 = arith.constant 0 : i32
    %cond3A_22 = arith.cmpi ne, %convert_element_type3A_20, %cond3A_21 : i32
    scf.if %cond3A_22 {
      %get3A_23 = arith.constant 0 : index
      %get3A_24 = arith.constant 0 : index
      %get3A_25 = vector.load %arg4[%get3A_23, %get3A_24] : memref<1x1024xf32, #tpu.memory_space<vmem>>, vector<1x1024xf32>
      %div3A = arith.constant 1.000000e+00 : f32
      %div3A_26 = vector.broadcast %div3A : f32 to vector<1x1024xf32>
      %div3A_27 = arith.divf %div3A_26, %get3A_25 : vector<1x1024xf32>
      %swap3A = arith.constant 0 : index
      %swap3A_28 = arith.constant 0 : index
      %swap3A_29 = vector.load %arg4[%swap3A, %swap3A_28] : memref<1x1024xf32, #tpu.memory_space<vmem>>, vector<1x1024xf32>
      tpu.vector_store %arg4[%swap3A, %swap3A_28], %div3A_27 {strides = array<i32>} : memref<1x1024xf32, #tpu.memory_space<vmem>>, vector<1x1024xf32>,
    } else {
    }
    return
  }
  func.func @transform_0(%arg0: i32) -> (i32, i32) {
    %c0_i32 = arith.constant 0 : i32
    %c0_i32_0 = arith.constant 0 : i32
    %c0_i32_1 = arith.constant 0 : i32
    return %c0_i32, %c0_i32_0 : i32, i32
  }
  func.func @transform_1(%arg0: i32) -> (i32, i32) {
    %c0_i32 = arith.constant 0 : i32
    %c0_i32_0 = arith.constant 0 : i32
    %c0_i32_1 = arith.constant 0 : i32
    return %c0_i32, %c0_i32_0 : i32, i32
  }
  func.func @transform_2(%arg0: i32) -> (i32, i32) {
    %c0_i32 = arith.constant 0 : i32
    %c0_i32_0 = arith.constant 0 : i32
    return %c0_i32, %arg0 : i32, i32
  }
  func.func @transform_3(%arg0: i32) -> (i32, i32) {
    %c0_i32 = arith.constant 0 : i32
    %c0_i32_0 = arith.constant 0 : i32
    %c0_i32_1 = arith.constant 0 : i32
    return %c0_i32, %c0_i32_0 : i32, i32
  }
  func.func @transform_4(%arg0: i32) -> (i32, i32) {
    %c0_i32 = arith.constant 0 : i32
    %c0_i32_0 = arith.constant 0 : i32
    %c0_i32_1 = arith.constant 0 : i32
    return %c0_i32, %c0_i32_0 : i32, i32
  }
}

module attributes {stable_mosaic.version = 14 : i64} {
  func.func @_pass_b_body(%arg0: i32, %arg1: memref<33x1024xbf16, #tpu.memory_space<vmem>>, %arg2: memref<33x2048xbf16, #tpu.memory_space<vmem>>, %arg3: memref<1x1024xf32, #tpu.memory_space<vmem>>, %arg4: memref<2048x1024xf32, #tpu.memory_space<vmem>>) attributes {dimension_semantics = [#tpu.dimension_semantics<parallel>], iteration_bounds = array<i64: 49>, scalar_prefetch = 0 : i64, scratch_operands = 0 : i64, tpu.core_type = #tpu.core_type<tc>, window_params = [{pipeline_mode = #tpu.pipeline_mode<synchronous>, transform_indices = @transform_0, window_bounds = array<i64: 33, 1024>}, {transform_indices = @transform_1, window_bounds = array<i64: 33, 2048>}, {pipeline_mode = #tpu.pipeline_mode<synchronous>, transform_indices = @transform_2, window_bounds = array<i64: 1, 1024>}, {transform_indices = @transform_3, window_bounds = array<i64: 2048, 1024>}]} {
    %get3A = arith.constant 0 : index
    %get3A_0 = arith.constant 0 : index
    %get3A_1 = vector.load %arg2[%get3A, %get3A_0] : memref<33x2048xbf16, #tpu.memory_space<vmem>>, vector<33x2048xbf16>
    %get3A_2 = arith.constant 0 : index
    %get3A_3 = arith.constant 0 : index
    %get3A_4 = vector.load %arg1[%get3A_2, %get3A_3] : memref<33x1024xbf16, #tpu.memory_space<vmem>>, vector<33x1024xbf16>
    %dot_general3A = arith.constant dense<0.000000e+00> : vector<2048x1024xf32>
    %dot_general3A_5 = tpu.matmul %get3A_1, %get3A_4, %dot_general3A {dimension_numbers = #tpu.dot_dimension_numbers<[0], [0], [1], [1], [0, 1, 1, 1], [], []>, transpose_lhs_hint = false} : vector<33x2048xbf16>, vector<33x1024xbf16>, vector<2048x1024xf32> -> vector<2048x1024xf32>
    %exp3A = math.exp %dot_general3A_5 : vector<2048x1024xf32>
    %get3A_6 = arith.constant 0 : index
    %get3A_7 = arith.constant 0 : index
    %get3A_8 = vector.load %arg3[%get3A_6, %get3A_7] : memref<1x1024xf32, #tpu.memory_space<vmem>>, vector<1x1024xf32>
    %mul3A = vector.broadcast %get3A_8 : vector<1x1024xf32> to vector<2048x1024xf32>
    %mul3A_9 = arith.mulf %exp3A, %mul3A : vector<2048x1024xf32>
    %swap3A = arith.constant 0 : index
    %swap3A_10 = arith.constant 0 : index
    %swap3A_11 = vector.load %arg4[%swap3A, %swap3A_10] : memref<2048x1024xf32, #tpu.memory_space<vmem>>, vector<2048x1024xf32>
    tpu.vector_store %arg4[%swap3A, %swap3A_10], %mul3A_9 {strides = array<i32>} : memref<2048x1024xf32, #tpu.memory_space<vmem>>, vector<2048x1024xf32>,
    return
  }
  func.func @transform_0(%arg0: i32) -> (i32, i32) {
    %c0_i32 = arith.constant 0 : i32
    %c0_i32_0 = arith.constant 0 : i32
    %c0_i32_1 = arith.constant 0 : i32
    return %c0_i32, %c0_i32_0 : i32, i32
  }
  func.func @transform_1(%arg0: i32) -> (i32, i32) {
    %c0_i32 = arith.constant 0 : i32
    %c0_i32_0 = arith.constant 0 : i32
    return %c0_i32, %arg0 : i32, i32
  }
  func.func @transform_2(%arg0: i32) -> (i32, i32) {
    %c0_i32 = arith.constant 0 : i32
    %c0_i32_0 = arith.constant 0 : i32
    %c0_i32_1 = arith.constant 0 : i32
    return %c0_i32, %c0_i32_0 : i32, i32
  }
  func.func @transform_3(%arg0: i32) -> (i32, i32) {
    %c0_i32 = arith.constant 0 : i32
    %c0_i32_0 = arith.constant 0 : i32
    return %arg0, %c0_i32 : i32, i32
  }
}

</mosaic_0001>

<sc_bundles>
// kernel: kernel.5.cloned.1.call-start
scs
__scs_entry_jumppad:
0x0: {  	(pc) =	sbr.rel $0x88, $3  }
0x1: {  	(tag) =	ssettag $0x0;
	lr =	simm.s32 $0x1  }
0x2: {  	[smem:$0x3F9D] =	sst lr;
	_ =	strace $0xD0000000  }
0x3: {  	_ = 	snop  }
0x4: {  	_ = 	snop  }
0x5: {  	_ = 	snop  }
0x6: {  	_ = 	snop  }
0x7: {  	_ = 	snop  }
__scs_overlays_trampoline_lowered:
0x8: {  	[smem:$0x3FAC] =	sst s0  }
0x9: {  	[smem:$0x3FAD] =	sst s1  }
0xa: {  	[smem:$0x3FAE] =	sst s2  }
0xb: {  	[smem:$0x3FAF] =	sst s3  }
0xc: {  	[smem:$0x3FB0] =	sst s4  }
0xd: {  	[smem:$0x3FB1] =	sst s5  }
0xe: {  	[smem:$0x3FB2] =	sst s6  }
0xf: {  	[smem:$0x3FB3] =	sst s7  }
0x10: {  	[smem:$0x3FB4] =	sst s8  }
0x11: {  	[smem:$0x3FB5] =	sst s9;
	s0 =	simm.s32 @!p0 $0x0  }
0x12: {  	s1 =	sld [smem:$0x3F9B];
	s0 =	simm.s32 @p0 $0x1  }
0x13: {  	[smem:$0x3FB6] =	sst s0;
	s0 =	simm.s32 @!p1 $0x0  }
0x14: {  	s2 =	sld [smem:$0x3F9A];
	s0 =	simm.s32 @p1 $0x1  }
0x15: {  	[smem:$0x3FB7] =	sst s0;
	s0 =	simm.s32 @!p2 $0x0  }
0x16: {  	s3 =	sld [smem:$0x3FDB];
	s0 =	simm.s32 @p2 $0x1  }
0x17: {  	s4 =	simm.s32 $0x1BF5;
	[smem:$0x3FB9] =	sst s0  }
0x18: {  	s0 =	sld [smem:$0x3F9C];
	_ =	swait.ge [sflag:s4], $0x0  }
0x19: {  	s7 =	sld [smem:$0x3F9D]  }
0x1a: {  	s8 =	sadd.s32 $0xFFFFE003, lr  }
0x1b: {  	s9 =	sadd.s32 $0xFFFFFEF7, lr;
	s5 =	simm.s32 $0xFFFFFFFF;
	p2 =	slt.u32 s8, $0xFFFFF086  }
0x1c: {  	p1 =	slt.u32 s9, $0xF7A;
	s5 =	simm.s32 @!p2 $0x0  }
0x1d: {  	s5 =	simm.s32 @p1 $0x1;
	p0 =	seq.s32 s7, s2  }
0x1e: {  	s7 =	smul.u32 @!p0 $0xF7A, s2;
	p2 =	seq.s32 @!p0 s5, $0x0  }
0x1f: {  	s9 =	smul.u32 $0xF7A, s1;
	s8 =	simm.s32 @!p0 $0x1BF5;
	p2 =	por !p2, p0  }
0x20: {  	[sflag:s8] =	ssyncset.s32 @!p0 $0xFFFFF086;
	s6 =	sadd.s32 @!p0 s3, s7;
	s7 =	simm.s32 @!p0 $0x108  }
0x21: {  	s3 =	sadd.s32 s3, s9;
	s6 =	sadd.s32 @!p0 $0x88, s6;
	s7 =	simm.s32 @p2 $0x1082  }
0x22: {  	[simem:s7], [sflag:s8] =	dma.local @!p0 [hbm:s6], $0xF7A  }
0x23: {  	s9 =	sor.u32 $0xD0000000, s2;
	s6 =	simm.s32 $0x108;
	_ =	swait.ge @!p0 [sflag:s8], $0x0  }
0x24: {  	s3 =	sadd.s32 $0x88, s3;
	s6 =	simm.s32 @!p1 $0x1082;
	[sflag:s4] =	ssyncset.s32 $0xFFFFF086  }
0x25: {  	[simem:s6], [sflag:s4] =	dma.local [hbm:s3], $0xF7A  }
0x26: {  	[smem:$0x3F9D] =	sst s1;
	(tag) =	ssettag s2;
	_ =	strace s9  }
0x27: {  	s1 =	sld [smem:$0x3FAD]  }
0x28: {  	s2 =	sld [smem:$0x3FAE]  }
0x29: {  	s4 =	sld [smem:$0x3FB0]  }
0x2a: {  	p0 =	seq.s32 s5, $0x0;
	s5 =	sld [smem:$0x3FB1]  }
0x2b: {  	s6 =	sld [smem:$0x3FB2]  }
0x2c: {  	s7 =	sld [smem:$0x3FB3]  }
0x2d: {  	s3 =	simm.s32 $0x108;
	s8 =	sld [smem:$0x3FB4]  }
0x2e: {  	s3 =	simm.s32 @!p0 $0x1082;
	s9 =	sld [smem:$0x3FB5]  }
0x2f: {  	lr =	sadd.s32 s0, s3;
	s0 =	sld [smem:$0x3FAC]  }
0x30: {  	s3 =	sld [smem:$0x3FAF]  }
0x31: {  	[smem:$0x3FB8] =	sst s10  }
0x32: {  	s10 =	sld [smem:$0x3FB6];
	_ =	sdelay $0x3  }
0x33: {  	p0 =	seq.s32 s10, $0x1;
	s10 =	sld [smem:$0x3FB8];
	_ =	sdelay $0x3  }
0x34: {  	[smem:$0x3FB8] =	sst s10  }
0x35: {  	s10 =	sld [smem:$0x3FB7];
	_ =	sdelay $0x3  }
0x36: {  	p1 =	seq.s32 s10, $0x1;
	s10 =	sld [smem:$0x3FB8];
	_ =	sdelay $0x3  }
0x37: {  	[smem:$0x3FB8] =	sst s10  }
0x38: {  	s10 =	sld [smem:$0x3FB9]  }
0x39: {  	_ = 	snop;
	(pc) =	sbr.ind lr, $3  }
0x3a: {  	_ = 	snop  }
0x3b: {  	_ = 	snop  }
0x3c: {  	p2 =	seq.s32 s10, $0x1;
	s10 =	sld [smem:$0x3FB8]  }
0x3d: {  	_ =	shalt  }
0x3e: {  	_ =	shalt  }
0x3f: {  	_ =	shalt  }
0x40: {  	_ =	shalt  }
0x41: {  	_ =	shalt  }
0x42: {  	_ =	shalt  }
0x43: {  	_ =	shalt  }
0x44: {  	_ =	shalt  }
0x45: {  	_ =	shalt  }
0x46: {  	_ =	shalt  }
0x47: {  	_ =	shalt  }
0x48: {  	_ =	shalt  }
0x49: {  	_ =	shalt  }
0x4a: {  	_ =	shalt  }
0x4b: {  	_ =	shalt  }
0x4c: {  	_ =	shalt  }
0x4d: {  	_ =	shalt  }
0x4e: {  	_ =	shalt  }
0x4f: {  	_ =	shalt  }
0x50: {  	_ =	shalt  }
0x51: {  	_ =	shalt  }
0x52: {  	_ =	shalt  }
0x53: {  	_ =	shalt  }
0x54: {  	_ =	shalt  }
0x55: {  	_ =	shalt  }
0x56: {  	_ =	shalt  }
0x57: {  	_ =	shalt  }
0x58: {  	_ =	shalt  }
0x59: {  	_ =	shalt  }
0x5a: {  	_ =	shalt  }
0x5b: {  	_ =	shalt  }
0x5c: {  	_ =	shalt  }
0x5d: {  	_ =	shalt  }
0x5e: {  	_ =	shalt  }
0x5f: {  	_ =	shalt  }
0x60: {  	_ =	shalt  }
0x61: {  	_ =	shalt  }
0x62: {  	_ =	shalt  }
0x63: {  	_ =	shalt  }
0x64: {  	_ =	shalt  }
0x65: {  	_ =	shalt  }
0x66: {  	_ =	shalt  }
0x67: {  	_ =	shalt  }
0x68: {  	_ =	shalt  }
0x69: {  	_ =	shalt  }
0x6a: {  	_ =	shalt  }
0x6b: {  	_ =	shalt  }
0x6c: {  	_ =	shalt  }
0x6d: {  	_ =	shalt  }
0x6e: {  	_ =	shalt  }
0x6f: {  	_ =	shalt  }
0x70: {  	_ =	shalt  }
0x71: {  	_ =	shalt  }
0x72: {  	_ =	shalt  }
0x73: {  	_ =	shalt  }
0x74: {  	_ =	shalt  }
0x75: {  	_ =	shalt  }
0x76: {  	_ =	shalt  }
0x77: {  	_ =	shalt  }
0x78: {  	_ =	shalt  }
0x79: {  	_ =	shalt  }
0x7a: {  	_ =	shalt  }
0x7b: {  	_ =	shalt  }
0x7c: {  	_ =	shalt  }
0x7d: {  	_ =	shalt  }
0x7e: {  	_ =	shalt  }
0x7f: {  	_ =	shalt  }
0x80: {  	_ =	shalt  }
0x81: {  	_ =	shalt  }
0x82: {  	_ =	shalt  }
0x83: {  	_ =	shalt  }
0x84: {  	_ =	shalt  }
0x85: {  	_ =	shalt  }
0x86: {  	_ =	shalt  }
0x87: {  	_ =	shalt  }
.Lfunc_end0:
.L_simem_size_0:
called_computation_lowered:
.L_overlay_start_0:
0x88: {  	s2 =	sld [smem:$0x3FD9]  }
0x89: {  	s3 =	sld [smem:$0x3FFE];
	_ =	sdelay $0x1  }
0x8a: {  	s1 =	srdreg.scid  }
0x8b: {  	s0 =	sand.u32 $0x1, s1  }
0x8c: {  	s17 =	sshll.u32 s0, $0xA;
	s2 =	sadd.s32 s3, s2  }
0x8d: {  	s2 =	sadd.s32 s2, s17  }
0x8e: {  	[smem:$0x3FC4] =	sst s2  }
0x8f: {  	_ = 	snop  }
0x90: {  	s2 =	sld [smem:$0x3FD0];
	(tm) =	ssettm $0x1  }
0x91: {  	s18 =	sld [smem:$0x3FFB];
	_ =	sdelay $0x3  }
0x92: {  	_ =	strace s18  }
0x93: {  	s3 =	sld [smem:$0x3FFC];
	_ =	sdelay $0x3  }
0x94: {  	_ =	strace s3  }
0x95: {  	s3 =	sld [smem:$0x3FFD];
	_ =	sdelay $0x3  }
0x96: {  	_ =	strace s3  }
0x97: {  	_ =	strace $0x8FFFFFFF  }
0x98: {  	s19 =	sld [smem:$0x3FDB];
	_ =	sdelay $0x1  }
0x99: {  	s4 =	simm.s32 $_scs_section_size  }
0x9a: {  	s5 =	simm.s32 $_size__tile_overlayer_lowered;
	s6 =	simm.s32 $_tile_overlayer_lowered  }
0x9b: {  	s22 =	simm.s32 $0x1BFF;
	s21 =	sshll.u32 s6, $0x1;
	s3 =	sadd.s32 s4, s19  }
0x9c: {  	s7 =	simm.s32 $0x0;
	s20 =	sshll.u32 s5, $0x1;
	s5 =	sadd.s32 s21, s3  }
0x9d: {  	[timem:s7], [sflag:s22] =	dma.local [hbm:s5], s20  }
0x9e: {  	_ =	swait.ge [sflag:s22], s20  }
0x9f: {  	s4 =	ssub.s32 $0x0, s20;
	[sflag:s22] =	ssyncset.done $0x0  }
0xa0: {  	[sflag:s22] =	ssyncadd.s32 s4;
	_ =	sdelay $0x1  }
0xa1: {  	s23 =	simm.s32 $0x1B8B  }
0xa2: {  	_ =	swait.ge [sflag:s23], $0x1  }
0xa3: {  	[sflag:s23] =	ssyncset.done $0x0  }
0xa4: {  	s25 =	simm.s32 $0x1B8E;
	s24 =	sld [smem:$0x3FFE];
	[sflag:s23] =	ssyncadd.s32 $0xFFFFFFFF  }
0xa5: {  	s26 =	simm.s32 $execute0_lowered;
	[smem:$0x3FD2] =	sst s25  }
0xa6: {  	s5 =	sshll.u32 s26, $0x1;
	_ =	strace $0x80000046;
	[dreg:$0x1] =	wrdreg $0xFFFFFFFF  }
0xa7: {  	s28 =	simm.s32 $_size_execute0_lowered;
	s3 =	sadd.s32 s3, s5;
	[dreg:$0x0] =	wrdreg $0x0  }
0xa8: {  	s5 =	sshll.u32 s28, $0x1;
	[dreg:$0x2] =	wrdreg s3  }
0xa9: {  	[dreg:$0x3] =	wrdreg s5  }
0xaa: {  	[dreg:$0x4] =	wrdreg $0xC0  }
0xab: {  	_ =	task [dreg:s7], $0x5FFFF  }
0xac: {  	[dreg:$0x1] =	wrdreg $0xFFFFFFFF  }
0xad: {  	[dreg:$0x0] =	wrdreg $0x60  }
0xae: {  	[dreg:$0x2] =	wrdreg s24  }
0xaf: {  	[dreg:$0x3] =	wrdreg s2  }
0xb0: {  	[dreg:$0x4] =	wrdreg $0x9  }
0xb1: {  	_ =	task.clear_ibuf [dreg:s7], $0x5FFFF;
	_ =	strace $0x90000046  }
0xb2: {  	s29 =	simm.s32 $0x9;
	_ =	strace $0x80000048  }
0xb3: {  	_ =	swait.ge [sflag:s29], $0x1  }
0xb4: {  	[sflag:s29] =	ssyncadd.s32 $0xFFFFFFFF  }
0xb5: {  	_ =	strace $0x90000048  }
0xb6: {  	_ =	sfence  }
0xb7: {  	s30 =	sld [smem:$0x0];
	_ =	sdelay $0x2  }
0xb8: {  	s31 =	sshll.u32 s1, $0xD;
	s1 =	sshrl.u32 s1, $0x2  }
0xb9: {  	s3 =	sand.u32 $0x4000, s31;
	s1 =	sadd.s32 s1, s30  }
0xba: {  	s0 =	sor.u32 s3, s0;
	s1 =	sshll.u32 s1, $0x11  }
0xbb: {  	s0 =	sor.u32 s1, s0  }
0xbc: {  	s0 =	sadd.s32 $0x8F2B, s0  }
0xbd: {  	[sflag:s0] =	ssyncadd.remote.s32 $0x1  }
0xbe: {  	_ =	sfence.sel $0xFFFF  }
0xbf: {  	[dreg:$0x0] =	wrdreg $0xFFFFFFFF;
	(pc) =	sbr.abs _section_cstart, $3  }
0xc0: {  	[dreg:$0x1] =	wrdreg $0xFFFFFFFF  }
0xc1: {  	_ =	task.clear_ibuf [dreg:s7], $0x2FFFF;
	_ =	strace $0x9FFFFFFF  }
0xc2: {  	(tm) =	ssettm $0x7FFFFFFF  }
0xc3: {  	_ =	shalt  }
tec
execute0_lowered:
.L_overlay_start_1:
0x0: {  	(tag) =	ssettag $0x1  }
0x1: {  	s1 =	srdreg.scid  }
0x2: {  	s0 =	stileid.u32;
	s6 =	sand.u32 $0x1, s1  }
0x3: {  	s5 =	rddreg [dreg:$0x0];
	s30 =	sshll.u32 s0, $0x6;
	s2 =	sshll.u32 s6, $0x5  }
0x4: {  	s9 =	rddreg [dreg:$0x1];
	s7 =	simm.s32 $0x80;
	s10 =	sor.u32 s2, s30  }
0x5: {  	s1 =	rddreg [dreg:$0x2];
	s2 =	simm.s32 $0x0;
	s3 =	sshrl.u32 s10, $0x3  }
0x6: {  	s11 =	ssub.s32 $0x2, s6;
	[smem:$0x7FF] =	sst s2;
	s3 =	sadd.s32 s3, s5  }
0x7: {  	_ =	strace $0x80000047;
	s4 =	sadd.s32 $0x1C00, s3;
	s3 =	simm.s32 $0x2  }
0x8: {  	[tilespmem:s2], [sflag:$0x2] =	stream.linear.gather [hbm4b:s4+s2], $0x20, $0x38;
	[tilespmem:$0x1080] =	vst v63  }
0x9: {  	s8 =	simm.s32 $0x1;
	s12 =	sshrl.u32 s11, $0x1;
	_ =	swait.ge [sflag:s3], $0x20  }
0xa: {  	s6 =	simm.s32 $0x20;
	s11 =	ssub.s32 s11, s12;
	[sflag:s3] =	ssyncset.done $0x0  }
0xb: {  	s5 =	sadd.s32 $0x1E00, s5;
	s31 =	smax.u32 s11, $0x1;
	[sflag:s3] =	ssyncadd.s32 $0xFFFFFFE0  }
0xc: {  	[tilespmem:s7], [sflag:$0x1] =	stream.indirect.gather [hbm4b:s5+s6], $0x80, s2, s6, $0xb8;
	[tilespmem:$0x1080] =	vst v63  }
0xd: {  	p0 =	sne.s32 s31, $0x1;
	_ =	swait.ge [sflag:s8], $0x1000  }
.Ltmp0:
0xe: {  	s10 =	sshll.u32 s10, $0x4;
	[sflag:s8] =	ssyncset.done $0x0;
	(pc) =	sbr.rel @!p0 .LBB2_2-.Ltmp0, $4  }
0xf: {  	s9 =	sadd.s32 s9, s10;
	[sflag:s8] =	ssyncadd.s32 $0xFFFFF000  }
0x10: {  	[hbm4b:s9+s2] =	stream.linear.scatter [tilespmem:s7], [sflag:$0x2], $0x1000, $0x38;
	[tilespmem:$0x1080] =	vst v63  }
0x11: {  	_ =	swait.ge [sflag:s3], $0x1000  }
0x12: {  	s10 =	sadd.s32 $0xFFFFFFFF, s31;
	[sflag:s3] =	ssyncset.done $0x0  }
.LBB2_1:
0x13: {  	p0 =	sne.s32 s10, $0x1;
	s10 =	sadd.s32 $0xFFFFFFFF, s10;
	[sflag:s3] =	ssyncadd.s32 $0xFFFFF000  }
0x14: {  	[tilespmem:s2], [sflag:$0x2] =	stream.linear.gather [hbm4b:s4+s2], $0x20, $0x38;
	[tilespmem:$0x1080] =	vst v63  }
0x15: {  	_ =	swait.ge [sflag:s3], $0x20  }
0x16: {  	[sflag:s3] =	ssyncset.done $0x0  }
0x17: {  	[sflag:s3] =	ssyncadd.s32 $0xFFFFFFE0  }
0x18: {  	[tilespmem:s7], [sflag:$0x1] =	stream.indirect.gather [hbm4b:s5+s6], $0x80, s2, s6, $0xb8;
	[tilespmem:$0x1080] =	vst v63  }
0x19: {  	_ =	swait.ge [sflag:s8], $0x1000  }
.Ltmp1:
0x1a: {  	[sflag:s8] =	ssyncset.done $0x0;
	(pc) =	sbr.rel @p0 .LBB2_1-.Ltmp1, $4  }
0x1b: {  	[sflag:s8] =	ssyncadd.s32 $0xFFFFF000  }
0x1c: {  	[hbm4b:s9+s2] =	stream.linear.scatter [tilespmem:s7], [sflag:$0x2], $0x1000, $0x38;
	[tilespmem:$0x1080] =	vst v63  }
0x1d: {  	_ =	swait.ge [sflag:s3], $0x1000  }
0x1e: {  	[sflag:s3] =	ssyncset.done $0x0  }
.LBB2_2:
0x1f: {  	[sflag:s3] =	ssyncadd.s32 $0xFFFFF000  }
0x20: {  	_ =	sfence.sel $0x180000  }
0x21: {  	[bflag:$0x0] =	sbarrier.arrive $0xFFFF  }
0x22: {  	p0 =	sne.s32 s0, $0x0;
	_ =	strace $0x90000047  }
0x23: {  	s0 =	sadd.s32 @!p0 $0x100000, s1;
	[bflag:$0x2] =	sbarrier.arrive $0xFFFF  }
0x24: {  	[sflag:s0] =	ssyncadd.tile.s32 @!p0 $0x1;
	_ =	shalt  }
.Lfunc_end2:
_tile_overlayer_lowered:
.L_overlay_start_2:
0x25: {  	(tag) =	ssettag $0x2  }
0x26: {  	s0 =	rddreg [dreg:$0x0];
	s2 =	stileid.u32  }
0x27: {  	s1 =	rddreg [dreg:$0x1];
	p0 =	sne.s32 s2, $0x0  }
0x28: {  	s3 =	rddreg [dreg:$0x2];
	[bflag:$0x3] =	sbarrier.arrive $0xFFFF;
	s2 =	simm.s32 @!p0 $0x1C02  }
0x29: {  	[timem:s3], [sflag:s2] =	dma.local @!p0 [hbm:s0], s1  }
0x2a: {  	s0 =	simm.s32 @!p0 $0x2  }
0x2b: {  	_ =	swait.ge @!p0 [sflag:s0], s1  }
0x2c: {  	s1 =	ssub.s32 @!p0 $0x0, s1;
	[sflag:s0] =	ssyncset.done @!p0 $0x0  }
0x2d: {  	[sflag:s0] =	ssyncadd.s32 @!p0 s1  }
0x2e: {  	[bflag:$0x3] =	sbarrier.arrive $0xFFFF  }
0x2f: {  	_ =	shalt  }

</sc_bundles>
